<compile_context>
chip_gen: v7x
topology: tpu7x:2x2x1
jax: 0.10.2.dev20260603
libtpu: 0.0.44.dev20260713+nightly
codegen_flags: <defaults>
</compile_context>

<pallas_src>
import functools

import jax
import jax.numpy as jnp
from jax.experimental import pallas as pl

B, N, D, H, O, TOPK = 1024, 50, 512, 512, 512, 16
BBLK = 128
R = BBLK * N


def _bf16(x):
    return x.astype(jnp.bfloat16)


def _dot(a, b, dims, precision=None):
    return jax.lax.dot_general(a, b, (dims, ((), ())),
                               preferred_element_type=jnp.float32,
                               precision=precision)


def _fused_kernel(c_ref, e_ref, wq_ref, bq_ref, wk_ref, bk_ref, wv_ref,
                  bv_ref, wo_ref, bo_ref, ig_ref, qsel_ref, o_ref):
    ig = ig_ref[...]
    qself = qsel_ref[...]

    e16 = e_ref[...]
    q = _dot(c_ref[...], wq_ref[...], ((1,), (1,)))
    q16 = _bf16(q + bq_ref[...])
    k16 = _bf16(_dot(e16, wk_ref[...], ((1,), (1,))) + bk_ref[...])
    ell = _dot(k16, q16, ((1,), (1,)))
    masked = ell * ig
    logits = _dot(masked, qself, ((0,), (0,)),
                  precision=jax.lax.Precision.HIGHEST) * (H ** -0.5)
    m = jnp.max(logits, axis=-1, keepdims=True)
    p = jnp.exp(logits - m)
    s = p / jnp.sum(p, axis=-1, keepdims=True)
    sm = s[:, :, None]
    sn = s[:, None, :]
    m_idx = jax.lax.broadcasted_iota(jnp.int32, (1, N, N), 1)
    n_idx = jax.lax.broadcasted_iota(jnp.int32, (1, N, N), 2)
    beats = (sm > sn) | ((sm == sn) & (m_idx < n_idx))
    rank = jnp.sum(beats.astype(jnp.int32), axis=1)
    w = jnp.where(rank < TOPK, s, 0.0)
    s_tot = jnp.sum(w, axis=-1, keepdims=True)
    t = _dot(qself, w, ((1,), (1,)))
    wcb16 = _bf16(t * ig)
    e_w = _dot(wcb16, e16, ((0,), (0,)))
    ws = _dot(_bf16(e_w), wv_ref[...], ((1,), (1,)))
    ws = ws + s_tot * bv_ref[...]
    o_ref[...] = _dot(_bf16(ws), wo_ref[...], ((1,), (1,))) \
        + bo_ref[...]


def _ig_mask():
    r = jnp.arange(R, dtype=jnp.int32)[:, None]
    b = jnp.arange(BBLK, dtype=jnp.int32)[None, :]
    return ((r >= b * N) & (r < (b + 1) * N)).astype(jnp.float32)


def _qsel_mask():
    r = jnp.arange(R, dtype=jnp.int32)[:, None]
    n = jnp.arange(N, dtype=jnp.int32)[None, :]
    return ((r % N) == n).astype(jnp.float32)


@functools.partial(jax.jit, static_argnames=("interpret",))
def _run(class_embedding, entity_embeddings, Wq, bq, Wk, bk, Wv, bv, Wo, bo,
         interpret=False):
    grid = (B // BBLK,)
    full = lambda *shape: pl.BlockSpec(shape, lambda i: (0,) * len(shape))
    return pl.pallas_call(
        _fused_kernel,
        grid=grid,
        in_specs=[
            pl.BlockSpec((BBLK, D), lambda i: (i, 0)),
            pl.BlockSpec((R, D), lambda i: (i, 0)),
            full(H, D),
            full(1, H),
            full(H, D),
            full(1, H),
            full(H, D),
            full(1, H),
            full(O, H),
            full(1, O),
            full(R, BBLK),
            full(R, N),
        ],
        out_specs=pl.BlockSpec((BBLK, O), lambda i: (i, 0)),
        out_shape=jax.ShapeDtypeStruct((B, O), jnp.float32),
        interpret=interpret,
    )(class_embedding.astype(jnp.bfloat16),
      entity_embeddings.reshape(B * N, D).astype(jnp.bfloat16),
      Wq.astype(jnp.bfloat16), bq.reshape(1, H),
      Wk.astype(jnp.bfloat16), bk.reshape(1, H),
      Wv.astype(jnp.bfloat16), bv.reshape(1, H),
      Wo.astype(jnp.bfloat16), bo.reshape(1, O),
      _ig_mask(), _qsel_mask())


def kernel(class_embedding, entity_embeddings, Wq, bq, Wk, bk, Wv, bv, Wo, bo):
    return _run(class_embedding, entity_embeddings, Wq, bq, Wk, bk, Wv, bv,
                Wo, bo)

# --- scband reference (transcript-rebuilt; emitter-appended) ---
"""Pipeline reference for scband-evgnetwork-83537113907666 (READ-ONLY COPY).

The authoritative reference and input builder live on the scoring server;
editing this copy changes nothing except your own understanding.
"""

import jax, jax.numpy as jnp
import numpy as np

B, N, D, H, O, TOPK = 1024, 50, 512, 512, 512, 16

def setup_inputs(seed: int = 0) -> dict:
    key = jax.random.key(seed)
    ks = jax.random.split(key, 10)
    s_in = 1.0 / np.sqrt(D)
    s_h = 1.0 / np.sqrt(H)
    return {
        "class_embedding": jax.random.normal(ks[0], (B, D), dtype=jnp.float32),
        "entity_embeddings": jax.random.normal(ks[1], (B, N, D), dtype=jnp.float32),
        "Wq": jax.random.uniform(ks[2], (H, D), jnp.float32, -s_in, s_in),
        "bq": jax.random.uniform(ks[3], (H,), jnp.float32, -s_in, s_in),
        "Wk": jax.random.uniform(ks[4], (H, D), jnp.float32, -s_in, s_in),
        "bk": jax.random.uniform(ks[5], (H,), jnp.float32, -s_in, s_in),
        "Wv": jax.random.uniform(ks[6], (H, D), jnp.float32, -s_in, s_in),
        "bv": jax.random.uniform(ks[7], (H,), jnp.float32, -s_in, s_in),
        "Wo": jax.random.uniform(ks[8], (O, H), jnp.float32, -s_h, s_h),
        "bo": jax.random.uniform(ks[9], (O,), jnp.float32, -s_h, s_h),
    }

def reference(class_embedding, entity_embeddings, Wq, bq, Wk, bk, Wv, bv, Wo, bo):
    # Q: (B, 1, H)
    Q = (class_embedding @ Wq.T + bq)[:, None, :]
    # K, V: (B, N, H)
    K = entity_embeddings @ Wk.T + bk
    V = entity_embeddings @ Wv.T + bv
    attn_logits = jnp.einsum('bhd,bnd->bhn', Q, K) / (H ** 0.5)  # (B, 1, N)
    attn_scores = jax.nn.softmax(attn_logits, axis=-1)
    topk_scores, topk_indices = jax.lax.top_k(attn_scores, TOPK)  # (B, 1, K)
    topk_indices = topk_indices[:, 0, :]  # (B, K)
    topk_scores = topk_scores[:, 0, :]    # (B, K)
    topk_values = jnp.take_along_axis(V, topk_indices[:, :, None], axis=1)  # (B, K, H)
    weighted_sum = jnp.sum(topk_values * topk_scores[:, :, None], axis=1)  # (B, H)
    final_vector = weighted_sum @ Wo.T + bo  # (B, O)
    return final_vector

if __name__ == "__main__":
    import jax
    _d = setup_inputs()
    print(jax.jit(kernel)(*tuple(_d.values())))

</pallas_src>

<mosaic_0001>
module attributes {stable_mosaic.version = 14 : i64} {
  func.func @_fused_kernel(%arg0: i32, %arg1: memref<128x512xbf16, #tpu.memory_space<vmem>>, %arg2: memref<6400x512xbf16, #tpu.memory_space<vmem>>, %arg3: memref<512x512xbf16, #tpu.memory_space<vmem>>, %arg4: memref<1x512xf32, #tpu.memory_space<vmem>>, %arg5: memref<512x512xbf16, #tpu.memory_space<vmem>>, %arg6: memref<1x512xf32, #tpu.memory_space<vmem>>, %arg7: memref<512x512xbf16, #tpu.memory_space<vmem>>, %arg8: memref<1x512xf32, #tpu.memory_space<vmem>>, %arg9: memref<512x512xbf16, #tpu.memory_space<vmem>>, %arg10: memref<1x512xf32, #tpu.memory_space<vmem>>, %arg11: memref<6400x128xf32, #tpu.memory_space<vmem>>, %arg12: memref<6400x50xf32, #tpu.memory_space<vmem>>, %arg13: memref<128x512xf32, #tpu.memory_space<vmem>>) attributes {dimension_semantics = [#tpu.dimension_semantics<arbitrary>], iteration_bounds = array<i64: 8>, scalar_prefetch = 0 : i64, scratch_operands = 0 : i64, tpu.core_type = #tpu.core_type<tc>, window_params = [{transform_indices = @transform_0, window_bounds = array<i64: 128, 512>}, {transform_indices = @transform_1, window_bounds = array<i64: 6400, 512>}, {pipeline_mode = #tpu.pipeline_mode<synchronous>, transform_indices = @transform_2, window_bounds = array<i64: 512, 512>}, {pipeline_mode = #tpu.pipeline_mode<synchronous>, transform_indices = @transform_3, window_bounds = array<i64: 1, 512>}, {pipeline_mode = #tpu.pipeline_mode<synchronous>, transform_indices = @transform_4, window_bounds = array<i64: 512, 512>}, {pipeline_mode = #tpu.pipeline_mode<synchronous>, transform_indices = @transform_5, window_bounds = array<i64: 1, 512>}, {pipeline_mode = #tpu.pipeline_mode<synchronous>, transform_indices = @transform_6, window_bounds = array<i64: 512, 512>}, {pipeline_mode = #tpu.pipeline_mode<synchronous>, transform_indices = @transform_7, window_bounds = array<i64: 1, 512>}, {pipeline_mode = #tpu.pipeline_mode<synchronous>, transform_indices = @transform_8, window_bounds = array<i64: 512, 512>}, {pipeline_mode = #tpu.pipeline_mode<synchronous>, transform_indices = @transform_9, window_bounds = array<i64: 1, 512>}, {pipeline_mode = #tpu.pipeline_mode<synchronous>, transform_indices = @transform_10, window_bounds = array<i64: 6400, 128>}, {pipeline_mode = #tpu.pipeline_mode<synchronous>, transform_indices = @transform_11, window_bounds = array<i64: 6400, 50>}, {transform_indices = @transform_12, window_bounds = array<i64: 128, 512>}]} {
    %get3A = arith.constant 0 : index
    %get3A_0 = arith.constant 0 : index
    %get3A_1 = vector.load %arg11[%get3A, %get3A_0] : memref<6400x128xf32, #tpu.memory_space<vmem>>, vector<6400x128xf32>
    %get3A_2 = arith.constant 0 : index
    %get3A_3 = arith.constant 0 : index
    %get3A_4 = vector.load %arg12[%get3A_2, %get3A_3] : memref<6400x50xf32, #tpu.memory_space<vmem>>, vector<6400x50xf32>
    %get3A_5 = arith.constant 0 : index
    %get3A_6 = arith.constant 0 : index
    %get3A_7 = vector.load %arg2[%get3A_5, %get3A_6] : memref<6400x512xbf16, #tpu.memory_space<vmem>>, vector<6400x512xbf16>
    %get3A_8 = arith.constant 0 : index
    %get3A_9 = arith.constant 0 : index
    %get3A_10 = vector.load %arg1[%get3A_8, %get3A_9] : memref<128x512xbf16, #tpu.memory_space<vmem>>, vector<128x512xbf16>
    %get3A_11 = arith.constant 0 : index
    %get3A_12 = arith.constant 0 : index
    %get3A_13 = vector.load %arg3[%get3A_11, %get3A_12] : memref<512x512xbf16, #tpu.memory_space<vmem>>, vector<512x512xbf16>
    %dot_general3A = arith.constant dense<0.000000e+00> : vector<128x512xf32>
    %dot_general3A_14 = tpu.matmul %get3A_10, %get3A_13, %dot_general3A {dimension_numbers = #tpu.dot_dimension_numbers<[1], [1], [0], [0], [0, 0, 1, 0], [], []>, transpose_lhs_hint = false} : vector<128x512xbf16>, vector<512x512xbf16>, vector<128x512xf32> -> vector<128x512xf32>
    %get3A_15 = arith.constant 0 : index
    %get3A_16 = arith.constant 0 : index
    %get3A_17 = vector.load %arg4[%get3A_15, %get3A_16] : memref<1x512xf32, #tpu.memory_space<vmem>>, vector<1x512xf32>
    %add3A = vector.broadcast %get3A_17 : vector<1x512xf32> to vector<128x512xf32>
    %add3A_18 = arith.addf %dot_general3A_14, %add3A : vector<128x512xf32>
    %convert_element_type3A = arith.truncf %add3A_18 : vector<128x512xf32> to vector<128x512xbf16>
    %get3A_19 = arith.constant 0 : index
    %get3A_20 = arith.constant 0 : index
    %get3A_21 = vector.load %arg5[%get3A_19, %get3A_20] : memref<512x512xbf16, #tpu.memory_space<vmem>>, vector<512x512xbf16>
    %dot_general3A_22 = arith.constant dense<0.000000e+00> : vector<6400x512xf32>
    %dot_general3A_23 = tpu.matmul %get3A_7, %get3A_21, %dot_general3A_22 {dimension_numbers = #tpu.dot_dimension_numbers<[1], [1], [0], [0], [0, 0, 1, 0], [], []>, transpose_lhs_hint = false} : vector<6400x512xbf16>, vector<512x512xbf16>, vector<6400x512xf32> -> vector<6400x512xf32>
    %get3A_24 = arith.constant 0 : index
    %get3A_25 = arith.constant 0 : index
    %get3A_26 = vector.load %arg6[%get3A_24, %get3A_25] : memref<1x512xf32, #tpu.memory_space<vmem>>, vector<1x512xf32>
    %add3A_27 = vector.broadcast %get3A_26 : vector<1x512xf32> to vector<6400x512xf32>
    %add3A_28 = arith.addf %dot_general3A_23, %add3A_27 : vector<6400x512xf32>
    %convert_element_type3A_29 = arith.truncf %add3A_28 : vector<6400x512xf32> to vector<6400x512xbf16>
    %dot_general3A_30 = arith.constant dense<0.000000e+00> : vector<6400x128xf32>
    %dot_general3A_31 = tpu.matmul %convert_element_type3A_29, %convert_element_type3A, %dot_general3A_30 {dimension_numbers = #tpu.dot_dimension_numbers<[1], [1], [0], [0], [0, 0, 1, 0], [], []>, transpose_lhs_hint = false} : vector<6400x512xbf16>, vector<128x512xbf16>, vector<6400x128xf32> -> vector<6400x128xf32>
    %mul3A = arith.mulf %dot_general3A_31, %get3A_1 : vector<6400x128xf32>
    %dot_general3A_32 = arith.constant dense<0.000000e+00> : vector<128x50xf32>
    %dot_general3A_33 = tpu.matmul %mul3A, %get3A_4, %dot_general3A_32 {dimension_numbers = #tpu.dot_dimension_numbers<[0], [0], [1], [1], [0, 1, 1, 1], [], []>, precision = #tpu.contract_precision<fp32>, transpose_lhs_hint = false} : vector<6400x128xf32>, vector<6400x50xf32>, vector<128x50xf32> -> vector<128x50xf32>
    %mul3A_34 = arith.constant 0.0441941731 : f32
    %mul3A_35 = vector.broadcast %mul3A_34 : f32 to vector<128x50xf32>
    %mul3A_36 = arith.mulf %dot_general3A_33, %mul3A_35 : vector<128x50xf32>
    %reduce_max3A = arith.constant dense<0xFF800000> : vector<128xf32>
    %reduce_max3A_37 = vector.multi_reduction <maximumf>, %mul3A_36, %reduce_max3A [1] : vector<128x50xf32> to vector<128xf32>
    %broadcast_in_dim3A = vector.shape_cast %reduce_max3A_37 : vector<128xf32> to vector<128x1xf32>
    %sub3A = vector.broadcast %broadcast_in_dim3A : vector<128x1xf32> to vector<128x50xf32>
    %sub3A_38 = arith.subf %mul3A_36, %sub3A : vector<128x50xf32>
    %exp3A = math.exp %sub3A_38 : vector<128x50xf32>
    %reduce_sum3A = arith.constant dense<0.000000e+00> : vector<128xf32>
    %reduce_sum3A_39 = vector.multi_reduction <add>, %exp3A, %reduce_sum3A [1] : vector<128x50xf32> to vector<128xf32>
    %broadcast_in_dim3A_40 = vector.shape_cast %reduce_sum3A_39 : vector<128xf32> to vector<128x1xf32>
    %div3A = vector.broadcast %broadcast_in_dim3A_40 : vector<128x1xf32> to vector<128x50xf32>
    %div3A_41 = arith.divf %exp3A, %div3A : vector<128x50xf32>
    %broadcast_in_dim3A_42 = vector.shape_cast %div3A_41 : vector<128x50xf32> to vector<128x50x1xf32>
    %broadcast_in_dim3A_43 = vector.shape_cast %div3A_41 : vector<128x50xf32> to vector<128x1x50xf32>
    %iota3A = tpu.iota {dimensions = array<i32: 1>} : vector<1x50x50xi32>
    %iota3A_44 = tpu.iota {dimensions = array<i32: 2>} : vector<1x50x50xi32>
    %gt3A = vector.broadcast %broadcast_in_dim3A_42 : vector<128x50x1xf32> to vector<128x50x50xf32>
    %gt3A_45 = vector.broadcast %broadcast_in_dim3A_43 : vector<128x1x50xf32> to vector<128x50x50xf32>
    %gt3A_46 = arith.cmpf ogt, %gt3A, %gt3A_45 : vector<128x50x50xf32>
    %eq3A = vector.broadcast %broadcast_in_dim3A_42 : vector<128x50x1xf32> to vector<128x50x50xf32>
    %eq3A_47 = vector.broadcast %broadcast_in_dim3A_43 : vector<128x1x50xf32> to vector<128x50x50xf32>
    %eq3A_48 = arith.cmpf oeq, %eq3A, %eq3A_47 : vector<128x50x50xf32>
    %lt3A = arith.cmpi slt, %iota3A, %iota3A_44 : vector<1x50x50xi32>
    %and3A = vector.broadcast %lt3A : vector<1x50x50xi1> to vector<128x50x50xi1>
    %and3A_49 = arith.andi %eq3A_48, %and3A : vector<128x50x50xi1>
    %or3A = arith.ori %gt3A_46, %and3A_49 : vector<128x50x50xi1>
    %convert_element_type3A_50 = arith.extui %or3A : vector<128x50x50xi1> to vector<128x50x50xi32>
    %reduce_sum3A_51 = arith.constant dense<0> : vector<128x50xi32>
    %reduce_sum3A_52 = vector.multi_reduction <add>, %convert_element_type3A_50, %reduce_sum3A_51 [1] : vector<128x50x50xi32> to vector<128x50xi32>
    %lt3A_53 = arith.constant 16 : i32
    %lt3A_54 = vector.broadcast %lt3A_53 : i32 to vector<128x50xi32>
    %lt3A_55 = arith.cmpi slt, %reduce_sum3A_52, %lt3A_54 : vector<128x50xi32>
    %jit3A = arith.constant 0.000000e+00 : f32
    %broadcast_in_dim3A_56 = vector.broadcast %jit3A : f32 to vector<128x50xf32>
    %select_n3A = arith.select %lt3A_55, %div3A_41, %broadcast_in_dim3A_56 : vector<128x50xi1>, vector<128x50xf32>
    %reduce_sum3A_57 = arith.constant dense<0.000000e+00> : vector<128xf32>
    %reduce_sum3A_58 = vector.multi_reduction <add>, %select_n3A, %reduce_sum3A_57 [1] : vector<128x50xf32> to vector<128xf32>
    %broadcast_in_dim3A_59 = vector.shape_cast %reduce_sum3A_58 : vector<128xf32> to vector<128x1xf32>
    %dot_general3A_60 = arith.constant dense<0.000000e+00> : vector<6400x128xf32>
    %dot_general3A_61 = tpu.matmul %get3A_4, %select_n3A, %dot_general3A_60 {dimension_numbers = #tpu.dot_dimension_numbers<[1], [1], [0], [0], [0, 0, 1, 0], [], []>, transpose_lhs_hint = false} : vector<6400x50xf32>, vector<128x50xf32>, vector<6400x128xf32> -> vector<6400x128xf32>
    %mul3A_62 = arith.mulf %dot_general3A_61, %get3A_1 : vector<6400x128xf32>
    %convert_element_type3A_63 = arith.truncf %mul3A_62 : vector<6400x128xf32> to vector<6400x128xbf16>
    %dot_general3A_64 = arith.constant dense<0.000000e+00> : vector<128x512xf32>
    %dot_general3A_65 = tpu.matmul %convert_element_type3A_63, %get3A_7, %dot_general3A_64 {dimension_numbers = #tpu.dot_dimension_numbers<[0], [0], [1], [1], [0, 1, 1, 1], [], []>, transpose_lhs_hint = false} : vector<6400x128xbf16>, vector<6400x512xbf16>, vector<128x512xf32> -> vector<128x512xf32>
    %convert_element_type3A_66 = arith.truncf %dot_general3A_65 : vector<128x512xf32> to vector<128x512xbf16>
    %get3A_67 = arith.constant 0 : index
    %get3A_68 = arith.constant 0 : index
    %get3A_69 = vector.load %arg7[%get3A_67, %get3A_68] : memref<512x512xbf16, #tpu.memory_space<vmem>>, vector<512x512xbf16>
    %dot_general3A_70 = arith.constant dense<0.000000e+00> : vector<128x512xf32>
    %dot_general3A_71 = tpu.matmul %convert_element_type3A_66, %get3A_69, %dot_general3A_70 {dimension_numbers = #tpu.dot_dimension_numbers<[1], [1], [0], [0], [0, 0, 1, 0], [], []>, transpose_lhs_hint = false} : vector<128x512xbf16>, vector<512x512xbf16>, vector<128x512xf32> -> vector<128x512xf32>
    %get3A_72 = arith.constant 0 : index
    %get3A_73 = arith.constant 0 : index
    %get3A_74 = vector.load %arg8[%get3A_72, %get3A_73] : memref<1x512xf32, #tpu.memory_space<vmem>>, vector<1x512xf32>
    %mul3A_75 = vector.broadcast %broadcast_in_dim3A_59 : vector<128x1xf32> to vector<128x512xf32>
    %mul3A_76 = vector.broadcast %get3A_74 : vector<1x512xf32> to vector<128x512xf32>
    %mul3A_77 = arith.mulf %mul3A_75, %mul3A_76 : vector<128x512xf32>
    %add3A_78 = arith.addf %dot_general3A_71, %mul3A_77 : vector<128x512xf32>
    %convert_element_type3A_79 = arith.truncf %add3A_78 : vector<128x512xf32> to vector<128x512xbf16>
    %get3A_80 = arith.constant 0 : index
    %get3A_81 = arith.constant 0 : index
    %get3A_82 = vector.load %arg9[%get3A_80, %get3A_81] : memref<512x512xbf16, #tpu.memory_space<vmem>>, vector<512x512xbf16>
    %dot_general3A_83 = arith.constant dense<0.000000e+00> : vector<128x512xf32>
    %dot_general3A_84 = tpu.matmul %convert_element_type3A_79, %get3A_82, %dot_general3A_83 {dimension_numbers = #tpu.dot_dimension_numbers<[1], [1], [0], [0], [0, 0, 1, 0], [], []>, transpose_lhs_hint = false} : vector<128x512xbf16>, vector<512x512xbf16>, vector<128x512xf32> -> vector<128x512xf32>
    %get3A_85 = arith.constant 0 : index
    %get3A_86 = arith.constant 0 : index
    %get3A_87 = vector.load %arg10[%get3A_85, %get3A_86] : memref<1x512xf32, #tpu.memory_space<vmem>>, vector<1x512xf32>
    %add3A_88 = vector.broadcast %get3A_87 : vector<1x512xf32> to vector<128x512xf32>
    %add3A_89 = arith.addf %dot_general3A_84, %add3A_88 : vector<128x512xf32>
    %swap3A = arith.constant 0 : index
    %swap3A_90 = arith.constant 0 : index
    %swap3A_91 = vector.load %arg13[%swap3A, %swap3A_90] : memref<128x512xf32, #tpu.memory_space<vmem>>, vector<128x512xf32>
    tpu.vector_store %arg13[%swap3A, %swap3A_90], %add3A_89 {strides = array<i32>} : memref<128x512xf32, #tpu.memory_space<vmem>>, vector<128x512xf32>,
    return
  }
  func.func @transform_0(%arg0: i32) -> (i32, i32) {
    %c0_i32 = arith.constant 0 : i32
    %c0_i32_0 = arith.constant 0 : i32
    return %arg0, %c0_i32 : i32, i32
  }
  func.func @transform_1(%arg0: i32) -> (i32, i32) {
    %c0_i32 = arith.constant 0 : i32
    %c0_i32_0 = arith.constant 0 : i32
    return %arg0, %c0_i32 : i32, i32
  }
  func.func @transform_2(%arg0: i32) -> (i32, i32) {
    %c0_i32 = arith.constant 0 : i32
    %c0_i32_0 = arith.constant 0 : i32
    %c0_i32_1 = arith.constant 0 : i32
    return %c0_i32, %c0_i32_0 : i32, i32
  }
  func.func @transform_3(%arg0: i32) -> (i32, i32) {
    %c0_i32 = arith.constant 0 : i32
    %c0_i32_0 = arith.constant 0 : i32
    %c0_i32_1 = arith.constant 0 : i32
    return %c0_i32, %c0_i32_0 : i32, i32
  }
  func.func @transform_4(%arg0: i32) -> (i32, i32) {
    %c0_i32 = arith.constant 0 : i32
    %c0_i32_0 = arith.constant 0 : i32
    %c0_i32_1 = arith.constant 0 : i32
    return %c0_i32, %c0_i32_0 : i32, i32
  }
  func.func @transform_5(%arg0: i32) -> (i32, i32) {
    %c0_i32 = arith.constant 0 : i32
    %c0_i32_0 = arith.constant 0 : i32
    %c0_i32_1 = arith.constant 0 : i32
    return %c0_i32, %c0_i32_0 : i32, i32
  }
  func.func @transform_6(%arg0: i32) -> (i32, i32) {
    %c0_i32 = arith.constant 0 : i32
    %c0_i32_0 = arith.constant 0 : i32
    %c0_i32_1 = arith.constant 0 : i32
    return %c0_i32, %c0_i32_0 : i32, i32
  }
  func.func @transform_7(%arg0: i32) -> (i32, i32) {
    %c0_i32 = arith.constant 0 : i32
    %c0_i32_0 = arith.constant 0 : i32
    %c0_i32_1 = arith.constant 0 : i32
    return %c0_i32, %c0_i32_0 : i32, i32
  }
  func.func @transform_8(%arg0: i32) -> (i32, i32) {
    %c0_i32 = arith.constant 0 : i32
    %c0_i32_0 = arith.constant 0 : i32
    %c0_i32_1 = arith.constant 0 : i32
    return %c0_i32, %c0_i32_0 : i32, i32
  }
  func.func @transform_9(%arg0: i32) -> (i32, i32) {
    %c0_i32 = arith.constant 0 : i32
    %c0_i32_0 = arith.constant 0 : i32
    %c0_i32_1 = arith.constant 0 : i32
    return %c0_i32, %c0_i32_0 : i32, i32
  }
  func.func @transform_10(%arg0: i32) -> (i32, i32) {
    %c0_i32 = arith.constant 0 : i32
    %c0_i32_0 = arith.constant 0 : i32
    %c0_i32_1 = arith.constant 0 : i32
    return %c0_i32, %c0_i32_0 : i32, i32
  }
  func.func @transform_11(%arg0: i32) -> (i32, i32) {
    %c0_i32 = arith.constant 0 : i32
    %c0_i32_0 = arith.constant 0 : i32
    %c0_i32_1 = arith.constant 0 : i32
    return %c0_i32, %c0_i32_0 : i32, i32
  }
  func.func @transform_12(%arg0: i32) -> (i32, i32) {
    %c0_i32 = arith.constant 0 : i32
    %c0_i32_0 = arith.constant 0 : i32
    return %arg0, %c0_i32 : i32, i32
  }
}

</mosaic_0001>

<sc_bundles>
// kernel: sparse-core-data-format-call.cloned.1.call-start
scs
called_computation_lowered:
.L_overlay_start_0:
0x0: {  	s1 =	sld [smem:$0x3FD9]  }
0x1: {  	s2 =	sld [smem:$0x3FFE];
	_ =	sdelay $0x1  }
0x2: {  	s3 =	srdreg.scid  }
0x3: {  	s0 =	sand.u32 $0x1, s3  }
0x4: {  	s17 =	sshll.u32 s0, $0xA;
	s1 =	sadd.s32 s2, s1  }
0x5: {  	s1 =	sadd.s32 s1, s17  }
0x6: {  	[smem:$0x3FBE] =	sst s1  }
0x7: {  	_ = 	snop  }
0x8: {  	(tm) =	ssettm $0x1  }
0x9: {  	s18 =	sld [smem:$0x3FFB];
	_ =	sdelay $0x3  }
0xa: {  	_ =	strace s18  }
0xb: {  	s1 =	sld [smem:$0x3FFC];
	_ =	sdelay $0x3  }
0xc: {  	_ =	strace s1  }
0xd: {  	s1 =	sld [smem:$0x3FFD];
	_ =	sdelay $0x3  }
0xe: {  	_ =	strace s1  }
0xf: {  	_ =	strace $0x8FFFFFFF  }
0x10: {  	s19 =	sld [smem:$0x3FDB];
	_ =	sdelay $0x1  }
0x11: {  	s20 =	simm.s32 $_scs_section_size  }
0x12: {  	s4 =	simm.s32 $_size__tile_overlayer_lowered;
	s5 =	simm.s32 $_tile_overlayer_lowered  }
0x13: {  	s23 =	simm.s32 $0x1BFF;
	s22 =	sshll.u32 s5, $0x1;
	s1 =	sadd.s32 s20, s19  }
0x14: {  	s6 =	simm.s32 $0x0;
	s21 =	sshll.u32 s4, $0x1;
	s4 =	sadd.s32 s22, s1  }
0x15: {  	[timem:s6], [sflag:s23] =	dma.local [hbm:s4], s21  }
0x16: {  	_ =	swait.ge [sflag:s23], s21  }
0x17: {  	s2 =	ssub.s32 $0x0, s21;
	[sflag:s23] =	ssyncset.done $0x0  }
0x18: {  	[sflag:s23] =	ssyncadd.s32 s2;
	_ =	sdelay $0x1  }
0x19: {  	s24 =	simm.s32 $0x1B8B  }
0x1a: {  	_ =	swait.ge [sflag:s24], $0x1  }
0x1b: {  	[sflag:s24] =	ssyncset.done $0x0  }
0x1c: {  	s26 =	simm.s32 $0x1B8E;
	s25 =	sld [smem:$0x3FFE];
	[sflag:s24] =	ssyncadd.s32 $0xFFFFFFFF  }
0x1d: {  	s27 =	simm.s32 $execute0_lowered;
	[smem:$0x3FD2] =	sst s26  }
0x1e: {  	s4 =	sshll.u32 s27, $0x1;
	_ =	strace $0x80000046;
	[dreg:$0x1] =	wrdreg $0xFFFFFFFF  }
0x1f: {  	s28 =	simm.s32 $_size_execute0_lowered;
	s1 =	sadd.s32 s1, s4;
	[dreg:$0x0] =	wrdreg $0x0  }
0x20: {  	s4 =	sshll.u32 s28, $0x1;
	[dreg:$0x2] =	wrdreg s1  }
0x21: {  	[dreg:$0x3] =	wrdreg s4  }
0x22: {  	[dreg:$0x4] =	wrdreg $0xC0  }
0x23: {  	_ =	task [dreg:s6], $0x5FFFF  }
0x24: {  	[dreg:$0x1] =	wrdreg $0xFFFFFFFF  }
0x25: {  	[dreg:$0x0] =	wrdreg $0x60  }
0x26: {  	[dreg:$0x2] =	wrdreg s25  }
0x27: {  	[dreg:$0x3] =	wrdreg $0x9  }
0x28: {  	_ =	task.clear_ibuf [dreg:s6], $0x4FFFF;
	_ =	strace $0x90000046  }
0x29: {  	s29 =	simm.s32 $0x9;
	_ =	strace $0x80000048  }
0x2a: {  	_ =	swait.ge [sflag:s29], $0x1  }
0x2b: {  	[sflag:s29] =	ssyncadd.s32 $0xFFFFFFFF  }
0x2c: {  	_ =	strace $0x90000048  }
0x2d: {  	_ =	sfence  }
0x2e: {  	s30 =	sld [smem:$0x0];
	_ =	sdelay $0x2  }
0x2f: {  	s31 =	sshll.u32 s3, $0xD;
	s3 =	sshrl.u32 s3, $0x2  }
0x30: {  	s2 =	sand.u32 $0x4000, s31;
	s1 =	sadd.s32 s3, s30  }
0x31: {  	s0 =	sor.u32 s2, s0;
	s1 =	sshll.u32 s1, $0x11  }
0x32: {  	s0 =	sor.u32 s1, s0  }
0x33: {  	s0 =	sadd.s32 $0x8F2B, s0  }
0x34: {  	[sflag:s0] =	ssyncadd.remote.s32 $0x1  }
0x35: {  	_ =	sfence.sel $0xFFFF  }
0x36: {  	[dreg:$0x0] =	wrdreg $0xFFFFFFFF;
	(pc) =	sbr.abs _section_cstart, $3  }
0x37: {  	[dreg:$0x1] =	wrdreg $0xFFFFFFFF  }
0x38: {  	_ =	task.clear_ibuf [dreg:s6], $0x2FFFF;
	_ =	strace $0x9FFFFFFF  }
0x39: {  	(tm) =	ssettm $0x7FFFFFFF  }
tec
execute0_lowered:
.L_overlay_start_1:
0x0: {  	(tag) =	ssettag $0x1  }
0x1: {  	s0 =	srdreg.scid;
	s4 =	rddreg [dreg:$0x0]  }
0x2: {  	s31 =	simm.s32 $0x2;
	s17 =	simm.s32 $0x0;
	s1 =	sshll.u32 s0, $0x4  }
0x3: {  	s11 =	simm.s32 $0x3800;
	s0 =	stileid.u32;
	s1 =	sand.u32 $0x10, s1  }
0x4: {  	s12 =	simm.s32 $0x0;
	s2 =	sshll.u32 s0, $0x7;
	s5 =	sor.u32 s0, s1  }
0x5: {  	s16 =	simm.s32 $0x0;
	s2 =	sand.u32 $0x380, s2;
	s3 =	sshll.u32 s5, $0x4  }
0x6: {  	s15 =	simm.s32 $0x0;
	s7 =	ssub.s32 $0x400, s2;
	s3 =	sand.u32 $0x180, s3  }
0x7: {  	s6 =	sshll.u32 s0, $0xC;
	s8 =	sand.u32 $0x380, s7;
	s9 =	ssub.s32 $0x200, s3  }
0x8: {  	p0 =	sne.s32 s8, $0x0;
	s8 =	simm.s32 $0x1;
	s10 =	sand.u32 $0x180, s9  }
0x9: {  	s8 =	simm.s32 @!p0 $0x0;
	p0 =	sne.s32 s10, $0x0;
	s10 =	simm.s32 $0x1  }
0xa: {  	s7 =	sshrl.u32 s7, $0xA;
	s9 =	sshrl.u32 s9, $0x9;
	s10 =	simm.s32 @!p0 $0x0  }
0xb: {  	s5 =	sshll.u32 s5, $0x3;
	s28 =	sadd.s32 s8, s7;
	s29 =	sadd.s32 s10, s9  }
0xc: {  	s13 =	simm.s32 $0x0;
	s5 =	sor.u32 s6, s5;
	s6 =	smul.u32 s29, s28  }
.Ltmp0:
0xd: {  	s14 =	simm.s32 $0x0;
	s5 =	sand.u32 $0x70C0, s5;
	(pc) =	sbr.rel .LBB1_1-.Ltmp0, $4  }
0xe: {  	s1 =	rddreg [dreg:$0x1];
	_ =	strace $0x80000047;
	s30 =	sadd.s32 s5, s4  }
0xf: {  	s4 =	sadd.s32 $0x191800, s4;
	s5 =	simm.s32 $0x1;
	s6 =	smul.u32 $0x19, s6  }
0x10: {  	[sflag:s5] =	ssyncpa.u1 $0x0;
	s7 =	sadd.s32 $0x1800, s30;
	s8 =	sadd.s32 $0x9800, s30  }
0x11: {  	[sflag:s31] =	ssyncpa.u1 $0x0;
	s10 =	simm.s32 $0x80;
	s9 =	sadd.s32 $0x1, s6  }
.LBB1_4:
0x12: {  	s21 =	sshll.u32 s15, $0x9  }
0x13: {  	s17 =	sshll.u32 s17, $0x3;
	s22 =	sshll.u32 s15, $0x7;
	s21 =	sand.u32 $0xFFFFF000, s21  }
0x14: {  	s29 =	sand.u32 $0x200, s22;
	s17 =	sor.u32 s21, s17  }
0x15: {  	[tilespmem:s18+$0x30] =	vst v10;
	v8 =	vpack.i.b32.b16 v11, v8;
	s17 =	sor.u32 s29, s17  }
0x16: {  	v51 =	vunpack.i.l.s16.s32 v4;
	v7 =	vpack.i.b32.b16 v9, v7;
	v52 =	vunpack.i.l.s16.s32 v5;
	[tilespmem:s18+$0xFFFFFFC0] =	vst v8;
	s17 =	sshrl.u32 s17, $0x9  }
0x17: {  	v53 =	vunpack.i.u.s16.s32 v4;
	v54 =	vunpack.i.u.s16.s32 v5;
	[tilespmem:s18+$0x40] =	vst v7;
	v55 =	vpack.i.b32.b16 v52, v51;
	s30 =	smulhi.u32 $0x4924925, s17  }
0x18: {  	v56 =	vunpack.i.l.s16.s32 v2;
	v57 =	vunpack.i.l.s16.s32 v3;
	s16 =	smul.u32 $0x700, s16;
	v4 =	vpack.i.b32.b16 v54, v53;
	[tilespmem:s18+$0xFFFFFFD0] =	vst v55  }
0x19: {  	v58 =	vunpack.i.l.s16.s32 v6;
	v59 =	vpack.i.b32.b16 v57, v56;
	[tilespmem:s18+$0x50] =	vst v4;
	s21 =	smul.u32 $0x38, s30  }
0x1a: {  	v60 =	vunpack.i.u.s16.s32 v6;
	s31 =	sshll.u32 s15, $0x3;
	v1 =	vpack.i.b32.b16 v1, v58;
	[tilespmem:s18+$0xFFFFFFE0] =	vst v59  }
0x1b: {  	v61 =	vunpack.i.u.s16.s32 v2;
	v62 =	vunpack.i.u.s16.s32 v3;
	v0 =	vpack.i.b32.b16 v0, v60;
	s15 =	sand.u32 $0x10, s31;
	[tilespmem:s18+$0xFFFFFF80] =	vst v1;
	s16 =	sadd.s32 s4, s16;
	s17 =	ssub.s32 s17, s21  }
0x1c: {  	v63 =	vpack.i.b32.b16 v62, v61;
	[tilespmem:s20+$0x0] =	vst v0;
	s15 =	sadd.s32 s15, s16;
	s17 =	sshll.u32 s17, $0x5  }
0x1d: {  	[tilespmem:s20+$0x60] =	vst v63;
	s15 =	sadd.s32 s17, s15  }
0x1e: {  	[hbm4b:s15+s10] =	stream.strided.scatter [tilespmem:s19], [sflag:$0x2], $0x4000, s11, s10, $0x38;
	[tilespmem:$0x10000] =	vst v63  }
.LBB1_5:
0x1f: {  	s18 =	sadd.s32 $0x2, s13  }
0x20: {  	p1 =	sgt.s32 s18, $0x31  }
0x21: {  	s18 =	simm.s32 @p1 $0x0;
	p1 =	sne.s32 s14, s9  }
.Ltmp1:
0x22: {  	p0 =	slt.u32 s14, $0x2;
	(pc) =	sbr.rel @!p1 .LBB1_6-.Ltmp1, $4  }
0x23: {  	s19 =	sadd.s32 $0x1, s14;
	s16 =	simm.s32 @!p0 $0x2  }
0x24: {  	s15 =	smov.u32 s13;
	s12 =	sadd.s32 $0x8000, s12;
	_ =	swait.ge @!p0 [sflag:s16], $0x4000  }
0x25: {  	s17 =	smov.u32 s3;
	s14 =	smov.u32 s19;
	[sflag:s16] =	ssyncset.done @!p0 $0x0  }
0x26: {  	s13 =	smov.u32 s18;
	[sflag:s16] =	ssyncadd.s32 @!p0 $0xFFFFC000;
	s16 =	smov.u32 s2  }
.LBB1_1:
0x27: {  	p0 =	sge.u32 s14, s6  }
0x28: {  	s18 =	sxor.u32 @!p0 $0xFFFFFFFF, s14  }
0x29: {  	s19 =	sshll.u32 @!p0 s13, $0xF;
	s21 =	simm.s32 @!p0 $0x200;
	s18 =	sshll.u32 @!p0 s18, $0xE  }
0x2a: {  	s22 =	simm.s32 @!p0 $0x800;
	s20 =	sadd.s32 @!p0 s19, s7;
	s18 =	sand.u32 @!p0 $0x4000, s18  }
0x2b: {  	[tilespmem:s18], [sflag:$0x1] =	stream.strided.gather @!p0 [hbm4b:s20+s21], $0x2000, s22, s21, $0x38;
	[tilespmem:$0x10000] =	vst v63  }
0x2c: {  	s31 =	sadd.s32 $0xFFFFFFFF, s14;
	s19 =	sadd.s32 @!p0 s19, s8;
	s18 =	sor.u32 @!p0 $0x2000, s18  }
0x2d: {  	[tilespmem:s18], [sflag:$0x1] =	stream.strided.gather @!p0 [hbm4b:s19+s21], $0x2000, s22, s21, $0x38;
	[tilespmem:$0x10000] =	vst v63  }
0x2e: {  	p0 =	sge.u32 s31, s6  }
.Ltmp2:
0x2f: {  	_ = 	snop;
	(pc) =	sbr.rel @p0 .LBB1_5-.Ltmp2, $1  }
0x30: {  	_ =	sdelay $0x3  }
0x31: {  	s18 =	sshrl.u32 s12, $0x1;
	_ =	swait.ge [sflag:s5], $0x4000  }
0x32: {  	s18 =	sand.u32 $0x4000, s18;
	[sflag:s5] =	ssyncset.done $0x0  }
0x33: {  	s20 =	sor.u32 $0x2000, s18;
	[sflag:s5] =	ssyncadd.s32 $0xFFFFC000  }
0x34: {  	v0 =	vld [tilespmem:s20+$0xFFFFE070]  }
0x35: {  	v1 =	vld [tilespmem:s20+$0x70]  }
0x36: {  	v2 =	vld [tilespmem:s20+$0x0]  }
0x37: {  	v3 =	vld [tilespmem:s20+$0xFFFFE010]  }
0x38: {  	v4 =	vld [tilespmem:s20+$0x10]  }
0x39: {  	v5 =	vld [tilespmem:s20+$0xFFFFE020]  }
0x3a: {  	v7 =	vld [tilespmem:s20+$0x20]  }
0x3b: {  	v12 =	vld [tilespmem:s20+$0xFFFFE040];
	v6 =	vunpack.i.l.s16.s32 v0;
	v8 =	vunpack.i.u.s16.s32 v0;
	v9 =	vunpack.i.u.s16.s32 v1  }
0x3c: {  	v10 =	vunpack.i.l.s16.s32 v1;
	v0 =	vunpack.i.u.s16.s32 v2;
	v1 =	vunpack.i.l.s16.s32 v2;
	v2 =	vld [tilespmem:s20+$0xFFFFE030]  }
0x3d: {  	s18 =	sor.u32 $0x8080, s18;
	v11 =	vld [tilespmem:s20+$0x30];
	v8 =	vpack.i.b32.b16 v9, v8;
	v9 =	vunpack.i.u.s16.s32 v3;
	v3 =	vunpack.i.l.s16.s32 v3  }
0x3e: {  	v6 =	vpack.i.b32.b16 v10, v6;
	[tilespmem:s18+$0x70] =	vst v8;
	v8 =	vunpack.i.u.s16.s32 v4;
	v4 =	vunpack.i.l.s16.s32 v4  }
0x3f: {  	v13 =	vld [tilespmem:s20+$0x40];
	v10 =	vunpack.i.u.s16.s32 v5;
	v5 =	vunpack.i.l.s16.s32 v5;
	[tilespmem:s18+$0xFFFFFFF0] =	vst v6;
	v3 =	vpack.i.b32.b16 v4, v3  }
0x40: {  	v6 =	vunpack.i.u.s16.s32 v7;
	v7 =	vunpack.i.l.s16.s32 v7;
	v4 =	vld [tilespmem:s20+$0xFFFFE050];
	[tilespmem:s18+$0xFFFFFF90] =	vst v3;
	v3 =	vpack.i.b32.b16 v8, v9  }
0x41: {  	v8 =	vunpack.i.l.s16.s32 v12;
	[tilespmem:s18+$0x10] =	vst v3;
	v3 =	vpack.i.b32.b16 v7, v5;
	v9 =	vunpack.i.u.s16.s32 v2;
	v5 =	vld [tilespmem:s20+$0x50]  }
0x42: {  	s19 =	sshll.u32 s14, $0xE;
	v7 =	vunpack.i.l.s16.s32 v2;
	v2 =	vld [tilespmem:s20+$0xFFFFE060];
	[tilespmem:s18+$0xFFFFFFA0] =	vst v3;
	v3 =	vpack.i.b32.b16 v6, v10;
	v6 =	vunpack.i.l.s16.s32 v11  }
0x43: {  	s21 =	simm.s32 $0x0;
	s19 =	sand.u32 $0x4000, s19;
	v10 =	vunpack.i.u.s16.s32 v11;
	[tilespmem:s18+$0x20] =	vst v3;
	v11 =	vpack.i.b32.b16 v6, v7;
	v7 =	vunpack.i.u.s16.s32 v12;
	v3 =	vld [tilespmem:s20+$0x60]  }
0x44: {  	s19 =	sor.u32 $0x8000, s19;
	s22 =	sadd.s32 $0x80, s20;
	v6 =	vld [tilespmem:s20+$0xFFFFE000];
	v10 =	vpack.i.b32.b16 v10, v9;
	v9 =	vunpack.i.u.s16.s32 v13;
	s20 =	smov.u32 s18;
	[tilespmem:s18+$0xFFFFFFB0] =	vst v11;
	v11 =	vunpack.i.l.s16.s32 v13  }
.LBB1_3:
0x45: {  	v12 =	vld [tilespmem:s22+$0xFFFFE070];
	[tilespmem:s18+$0x30] =	vst v10;
	v8 =	vpack.i.b32.b16 v11, v8;
	v10 =	vunpack.i.u.s16.s32 v4;
	v4 =	vunpack.i.l.s16.s32 v4  }
0x46: {  	s21 =	sadd.s32 $0x2, s21;
	v7 =	vpack.i.b32.b16 v9, v7;
	v11 =	vld [tilespmem:s22+$0x70];
	[tilespmem:s18+$0xFFFFFFC0] =	vst v8;
	v8 =	vunpack.i.u.s16.s32 v5;
	v5 =	vunpack.i.l.s16.s32 v5  }
0x47: {  	p0 =	slt.u32 s21, $0x7E;
	v9 =	vld [tilespmem:s22+$0x0];
	[tilespmem:s18+$0x40] =	vst v7;
	v4 =	vpack.i.b32.b16 v5, v4;
	v5 =	vunpack.i.u.s16.s32 v2;
	v2 =	vunpack.i.l.s16.s32 v2  }
0x48: {  	v7 =	vld [tilespmem:s22+$0xFFFFE010];
	[tilespmem:s18+$0xFFFFFFD0] =	vst v4;
	v4 =	vpack.i.b32.b16 v8, v10;
	v8 =	vunpack.i.u.s16.s32 v3;
	v3 =	vunpack.i.l.s16.s32 v3  }
0x49: {  	v13 =	vunpack.i.u.s16.s32 v6;
	v6 =	vunpack.i.l.s16.s32 v6;
	v10 =	vld [tilespmem:s22+$0x10];
	[tilespmem:s18+$0x50] =	vst v4;
	v2 =	vpack.i.b32.b16 v3, v2  }
0x4a: {  	v1 =	vpack.i.b32.b16 v1, v6;
	v6 =	vpack.i.b32.b16 v0, v13;
	v3 =	vld [tilespmem:s22+$0xFFFFE020];
	v4 =	vunpack.i.l.s16.s32 v12;
	[tilespmem:s18+$0xFFFFFFE0] =	vst v2  }
0x4b: {  	v12 =	vunpack.i.u.s16.s32 v12;
	v2 =	vld [tilespmem:s22+$0x20];
	v13 =	vunpack.i.u.s16.s32 v11;
	v11 =	vunpack.i.l.s16.s32 v11;
	[tilespmem:s18+$0xFFFFFF80] =	vst v1  }
0x4c: {  	s18 =	sadd.s32 $0x100, s18;
	v0 =	vunpack.i.u.s16.s32 v9;
	v1 =	vunpack.i.l.s16.s32 v9;
	v9 =	vld [tilespmem:s22+$0xFFFFE030];
	v12 =	vpack.i.b32.b16 v13, v12;
	[tilespmem:s20+$0x0] =	vst v6  }
0x4d: {  	v5 =	vpack.i.b32.b16 v8, v5;
	v6 =	vunpack.i.u.s16.s32 v7;
	v7 =	vunpack.i.l.s16.s32 v7;
	v13 =	vld [tilespmem:s22+$0x30];
	[tilespmem:s18+$0x70] =	vst v12  }
0x4e: {  	v4 =	vpack.i.b32.b16 v11, v4;
	v8 =	vunpack.i.u.s16.s32 v10;
	v10 =	vunpack.i.l.s16.s32 v10;
	v12 =	vld [tilespmem:s22+$0xFFFFE040];
	[tilespmem:s20+$0x60] =	vst v5;
	s20 =	smov.u32 s18  }
0x4f: {  	v5 =	vpack.i.b32.b16 v10, v7;
	v7 =	vunpack.i.u.s16.s32 v3;
	v3 =	vunpack.i.l.s16.s32 v3;
	v11 =	vld [tilespmem:s22+$0x40];
	[tilespmem:s18+$0xFFFFFFF0] =	vst v4  }
.Ltmp3:
0x50: {  	[tilespmem:s18+$0xFFFFFF90] =	vst v5;
	v5 =	vpack.i.b32.b16 v8, v6;
	v6 =	vunpack.i.u.s16.s32 v2;
	v2 =	vunpack.i.l.s16.s32 v2;
	v4 =	vld [tilespmem:s22+$0xFFFFE050];
	(pc) =	sbr.rel @p0 .LBB1_3-.Ltmp3, $4  }
0x51: {  	[tilespmem:s18+$0x10] =	vst v5;
	v2 =	vpack.i.b32.b16 v2, v3;
	v10 =	vunpack.i.u.s16.s32 v9;
	v3 =	vunpack.i.l.s16.s32 v9;
	v5 =	vld [tilespmem:s22+$0x50]  }
0x52: {  	v6 =	vpack.i.b32.b16 v6, v7;
	[tilespmem:s18+$0xFFFFFFA0] =	vst v2;
	v9 =	vunpack.i.u.s16.s32 v13;
	v7 =	vunpack.i.l.s16.s32 v13;
	v2 =	vld [tilespmem:s22+$0xFFFFE060]  }
0x53: {  	[tilespmem:s18+$0x20] =	vst v6;
	v13 =	vpack.i.b32.b16 v7, v3;
	v7 =	vunpack.i.u.s16.s32 v12;
	v8 =	vunpack.i.l.s16.s32 v12;
	v3 =	vld [tilespmem:s22+$0x60]  }
0x54: {  	v10 =	vpack.i.b32.b16 v9, v10;
	v6 =	vld [tilespmem:s22+$0xFFFFE000];
	[tilespmem:s18+$0xFFFFFFB0] =	vst v13;
	v9 =	vunpack.i.u.s16.s32 v11;
	v11 =	vunpack.i.l.s16.s32 v11;
	s22 =	sadd.s32 $0x80, s22  }
.Ltmp4:
0x55: {  	_ = 	snop;
	(pc) =	sbr.rel .LBB1_4-.Ltmp4, $1  }
0x56: {  	_ =	sdelay $0x3  }
.LBB1_6:
0x57: {  	_ =	sfence.sel $0x180000  }
0x58: {  	s2 =	simm.s32 $0x1;
	[bflag:$0x0] =	sbarrier.arrive $0xFFFF  }
0x59: {  	s31 =	simm.s32 $0x2;
	[sflag:s2] =	ssyncpa.u1 $0x1  }
0x5a: {  	[sflag:s31] =	ssyncpa.u1 $0x1  }
0x5b: {  	p0 =	sne.s32 s0, $0x0;
	_ =	strace $0x90000047  }
0x5c: {  	s0 =	sadd.s32 @!p0 $0x100000, s1;
	[bflag:$0x2] =	sbarrier.arrive $0xFFFF  }
0x5d: {  	[sflag:s0] =	ssyncadd.tile.s32 @!p0 $0x1;
	_ =	shalt  }
.Lfunc_end1:
_tile_overlayer_lowered:
.L_overlay_start_2:
0x5e: {  	(tag) =	ssettag $0x2  }
0x5f: {  	s0 =	rddreg [dreg:$0x0];
	s2 =	stileid.u32  }
0x60: {  	s1 =	rddreg [dreg:$0x1];
	p0 =	sne.s32 s2, $0x0  }
0x61: {  	s3 =	rddreg [dreg:$0x2];
	[bflag:$0x3] =	sbarrier.arrive $0xFFFF;
	s2 =	simm.s32 @!p0 $0x1C01  }
0x62: {  	[timem:s3], [sflag:s2] =	dma.local @!p0 [hbm:s0], s1  }
0x63: {  	s0 =	simm.s32 @!p0 $0x1  }
0x64: {  	_ =	swait.ge @!p0 [sflag:s0], s1  }
0x65: {  	s1 =	ssub.s32 @!p0 $0x0, s1;
	[sflag:s0] =	ssyncset.done @!p0 $0x0  }
0x66: {  	[sflag:s0] =	ssyncadd.s32 @!p0 s1  }
0x67: {  	[bflag:$0x3] =	sbarrier.arrive $0xFFFF  }
0x68: {  	_ =	shalt  }

</sc_bundles>
